<compile_context>
chip_gen: v7x
topology: tpu7x:2x2x1
jax: 0.10.2.dev20260603
libtpu: 0.0.44.dev20260713+nightly
codegen_flags: <defaults>
</compile_context>

<pallas_src>
import jax
import jax.numpy as jnp
from jax.experimental import pallas as pl
from jax.experimental.pallas import tpu as pltpu
from jax.experimental.pallas import tpu_sc as plsc
from jax import lax

BATCH = 16384
N_FIELDS = 26
DIM = 64
NUM = BATCH * N_FIELDS
NUM_EMB = 1000000
SPLIT = 524288
NUM_WORKERS = 32
PER_WORKER = NUM // NUM_WORKERS
CHUNK = 832
N_CHUNKS = PER_WORKER // CHUNK

TBLK = 16384


def _transpose_body(xa_ref, xb_ref, o_ref):
    x = jnp.concatenate([xa_ref[...], xb_ref[...]], axis=0)
    o_ref[...] = x.T


def _row_major_table(table):
    table_t = table.T
    last_blk = (NUM_EMB - 1) // TBLK
    return pl.pallas_call(
        _transpose_body,
        grid=(SPLIT // TBLK,),
        in_specs=[
            pl.BlockSpec((DIM, TBLK), lambda i: (0, i)),
            pl.BlockSpec(
                (DIM, TBLK),
                lambda i: (0, jnp.minimum(i + SPLIT // TBLK, last_blk)),
            ),
        ],
        out_specs=pl.BlockSpec((TBLK, 2 * DIM), lambda i: (i, 0)),
        out_shape=jax.ShapeDtypeStruct((SPLIT, 2 * DIM), table.dtype),
    )(table_t, table_t)


def kernel(x_cat, table, offsets):
    adjusted = x_cat + offsets[None, :]
    remapped = jnp.where(
        adjusted < SPLIT, adjusted * 2, (adjusted - SPLIT) * 2 + 1
    )
    table_rm = _row_major_table(table)
    mesh = plsc.VectorSubcoreMesh(core_axis_name="c", subcore_axis_name="s")

    @pl.kernel(
        out_type=jax.ShapeDtypeStruct((NUM, DIM), table.dtype),
        mesh=mesh,
        scratch_types=[
            pltpu.VMEM((PER_WORKER,), jnp.int32),
            pltpu.VMEM((CHUNK, DIM), jnp.float32),
            pltpu.VMEM((CHUNK, DIM), jnp.float32),
            pltpu.SemaphoreType.DMA,
            pltpu.SemaphoreType.DMA,
        ],
        compiler_params=pltpu.CompilerParams(use_tc_tiling_on_sc=False),
    )
    def gather_kernel(table_hbm, idx_hbm, out_hbm, idx_v, rows0, rows1, sem0, sem1):
        wid = lax.axis_index("s") * 2 + lax.axis_index("c")
        base = wid * PER_WORKER
        pltpu.sync_copy(idx_hbm.at[pl.ds(base, PER_WORKER)], idx_v)

        def gather_chunk(i, buf, sem):
            pltpu.async_copy(
                table_hbm.at[idx_v.at[pl.ds(i * CHUNK, CHUNK)]], buf, sem
            )

        def drain(buf, sem):
            pltpu.make_async_copy(
                table_hbm.at[idx_v.at[pl.ds(0, CHUNK)]], buf, sem
            ).wait()

        def write_chunk(i, buf):
            pltpu.sync_copy(buf, out_hbm.at[pl.ds(base + i * CHUNK, CHUNK)])

        gather_chunk(0, rows0, sem0)

        @pl.loop(0, N_CHUNKS, step=2)
        def _(i):
            gather_chunk(i + 1, rows1, sem1)
            drain(rows0, sem0)
            write_chunk(i, rows0)

            @pl.when(i < N_CHUNKS - 2)
            def _():
                gather_chunk(i + 2, rows0, sem0)

            drain(rows1, sem1)
            write_chunk(i + 1, rows1)

    table_lin = table_rm.reshape(2 * SPLIT, DIM)
    out = gather_kernel(table_lin, remapped.reshape(NUM))
    return out.reshape(BATCH, N_FIELDS * DIM)

# --- scband reference (transcript-rebuilt; emitter-appended) ---
"""Pipeline reference for scband-simple-model-49778670961260 (READ-ONLY COPY).

The authoritative reference and input builder live on the scoring server;
editing this copy changes nothing except your own understanding.
"""

import jax, jax.numpy as jnp
import numpy as np

NUM_EMBEDDINGS = 1000000
EMBEDDING_DIM = 64
BATCH = 16384
N_FIELDS = 26
PER_FIELD = 38461
OFFSETS = np.arange(N_FIELDS, dtype=np.int32) * PER_FIELD


def setup_inputs(seed: int = 0) -> dict:
    key = jax.random.key(seed)
    k1, k2 = jax.random.split(key)
    x_cat = jax.random.randint(k1, (BATCH, N_FIELDS), 0, PER_FIELD, dtype=jnp.int32)
    table = jax.random.normal(k2, (NUM_EMBEDDINGS, EMBEDDING_DIM), dtype=jnp.float32)
    offsets = jnp.asarray(OFFSETS, dtype=jnp.int32)
    return {"x_cat": x_cat, "table": table, "offsets": offsets}


def reference(x_cat, table, offsets):
    # adjusted_indices = x_cat.long() + category_offsets[None]
    adjusted = x_cat.astype(jnp.int32) + offsets[None, :]
    # embedding gather then flatten per-row: view(B, n_fields * embed_dim)
    emb = jnp.take(table, adjusted.reshape(-1), axis=0)
    out = emb.reshape(x_cat.shape[0], -1)
    return out

if __name__ == "__main__":
    import jax
    _d = setup_inputs()
    print(jax.jit(kernel)(*tuple(_d.values())))

</pallas_src>

<mosaic_0001>
#map = affine_map<(d0, d1) -> (0, 0)>
#map1 = affine_map<(d0, d1) -> (0)>
module attributes {stable_mosaic.version = 14 : i64} {
  func.func @gather_kernel(%arg0: i32, %arg1: i32, %arg2: memref<1048576x64xf32, #tpu.memory_space<hbm>>, %arg3: memref<425984xi32, #tpu.memory_space<hbm>>, %arg4: memref<425984x64xf32, #tpu.memory_space<hbm>>, %arg5: memref<13312xi32, #tpu.memory_space<vmem>>, %arg6: memref<832x64xf32, #tpu.memory_space<vmem>>, %arg7: memref<832x64xf32, #tpu.memory_space<vmem>>, %arg8: memref<!tpu.dma_semaphore, #tpu.memory_space<semaphore_mem>>, %arg9: memref<!tpu.dma_semaphore, #tpu.memory_space<semaphore_mem>>) attributes {dimension_semantics = [#tpu.dimension_semantics<core_parallel>, #tpu.dimension_semantics<subcore_parallel>], iteration_bounds = array<i64: 2, 16>, scalar_prefetch = 0 : i64, scratch_operands = 5 : i64, tpu.core_type = #tpu.core_type<sc_vector_subcore>, window_params = [{transform_indices = #map}, {transform_indices = #map1}, {transform_indices = #map}]} {
    %mul3A = arith.constant 2 : i32
    %mul3A_0 = arith.muli %arg1, %mul3A : i32
    %add3A = arith.addi %mul3A_0, %arg0 : i32
    %mul3A_1 = arith.constant 13312 : i32
    %mul3A_2 = arith.muli %add3A, %mul3A_1 : i32
    "tpu.region"() ({
      %run_scoped3A = tpu.sem_alloc : memref<!tpu.dma_semaphore, #tpu.memory_space<semaphore_mem>>
      %dma_start3A_11 = tpu.memref_slice %arg3[%mul3A_2] : memref<425984xi32, #tpu.memory_space<hbm>> -> memref<13312xi32, #tpu.memory_space<hbm>>
      %dma_start3A_12 = tpu.memref_slice %arg3[%mul3A_2] : memref<425984xi32, #tpu.memory_space<hbm>> -> memref<13312xi32, #tpu.memory_space<hbm>>
      tpu.enqueue_dma source(%dma_start3A_12 : memref<13312xi32, #tpu.memory_space<hbm>>) target(%arg5 : memref<13312xi32, #tpu.memory_space<vmem>>) target_semaphore(%run_scoped3A : memref<!tpu.dma_semaphore, #tpu.memory_space<semaphore_mem>>)
      %dma_wait3A = tpu.memref_slice %arg3[%mul3A_2] : memref<425984xi32, #tpu.memory_space<hbm>> -> memref<13312xi32, #tpu.memory_space<hbm>>
      %dma_wait3A_13 = tpu.memref_slice %arg3[%mul3A_2] : memref<425984xi32, #tpu.memory_space<hbm>> -> memref<13312xi32, #tpu.memory_space<hbm>>
      tpu.wait_dma2 semaphore(%run_scoped3A : memref<!tpu.dma_semaphore, #tpu.memory_space<semaphore_mem>>) src(%dma_wait3A_13 : memref<13312xi32, #tpu.memory_space<hbm>>) dst(%arg5 : memref<13312xi32, #tpu.memory_space<vmem>>)
      tpu.yield
    }) : () -> ()
    %dma_start3A = arith.constant 0 : i32
    %dma_start3A_3 = tpu.memref_slice %arg5[%dma_start3A] : memref<13312xi32, #tpu.memory_space<vmem>> -> memref<832xi32, #tpu.memory_space<vmem>>
    %dma_start3A_4 = arith.constant 0 : i32
    %dma_start3A_5 = arith.constant 0 : i32
    %dma_start3A_6 = tpu.memref_slice %arg2[%dma_start3A_4, %dma_start3A_5] : memref<1048576x64xf32, #tpu.memory_space<hbm>> -> memref<1048576x64xf32, #tpu.memory_space<hbm>>
    tpu.enqueue_indirect_dma source(%dma_start3A_6 : memref<1048576x64xf32, #tpu.memory_space<hbm>>) target(%arg6 : memref<832x64xf32, #tpu.memory_space<vmem>>) offsets(%dma_start3A_3 : memref<832xi32, #tpu.memory_space<vmem>>) semaphore(%arg8 : memref<!tpu.dma_semaphore, #tpu.memory_space<semaphore_mem>>)
    %scan3A = arith.constant 0 : i32
    %scan3A_7 = arith.constant 8 : i32
    %scan3A_8 = arith.addi %scan3A, %scan3A_7 : i32
    %scan3A_9 = arith.constant 1 : i32
    scf.for %scan3A_11 = %scan3A to %scan3A_8 step %scan3A_9  : i32 {
      %mul3A_12 = arith.constant 2 : i32
      %mul3A_13 = arith.muli %scan3A_11, %mul3A_12 : i32
      %add3A_14 = arith.constant 0 : i32
      %add3A_15 = arith.addi %add3A_14, %mul3A_13 : i32
      %add3A_16 = arith.constant 1 : i32
      %add3A_17 = arith.addi %add3A_15, %add3A_16 : i32
      %mul3A_18 = arith.constant 832 : i32
      %mul3A_19 = arith.muli %add3A_17, %mul3A_18 : i32
      %dma_start3A_20 = tpu.memref_slice %arg5[%mul3A_19] : memref<13312xi32, #tpu.memory_space<vmem>> -> memref<832xi32, #tpu.memory_space<vmem>>
      %dma_start3A_21 = arith.constant 0 : i32
      %dma_start3A_22 = arith.constant 0 : i32
      %dma_start3A_23 = tpu.memref_slice %arg2[%dma_start3A_21, %dma_start3A_22] : memref<1048576x64xf32, #tpu.memory_space<hbm>> -> memref<1048576x64xf32, #tpu.memory_space<hbm>>
      tpu.enqueue_indirect_dma source(%dma_start3A_23 : memref<1048576x64xf32, #tpu.memory_space<hbm>>) target(%arg7 : memref<832x64xf32, #tpu.memory_space<vmem>>) offsets(%dma_start3A_20 : memref<832xi32, #tpu.memory_space<vmem>>) semaphore(%arg9 : memref<!tpu.dma_semaphore, #tpu.memory_space<semaphore_mem>>)
      %dma_wait3A = arith.constant 0 : i32
      %dma_wait3A_24 = tpu.memref_slice %arg5[%dma_wait3A] : memref<13312xi32, #tpu.memory_space<vmem>> -> memref<832xi32, #tpu.memory_space<vmem>>
      %dma_wait3A_25 = arith.constant 0 : i32
      %dma_wait3A_26 = arith.constant 0 : i32
      %dma_wait3A_27 = tpu.memref_slice %arg2[%dma_wait3A_25, %dma_wait3A_26] : memref<1048576x64xf32, #tpu.memory_space<hbm>> -> memref<1048576x64xf32, #tpu.memory_space<hbm>>
      tpu.wait_indirect_dma semaphore(%arg8 : memref<!tpu.dma_semaphore, #tpu.memory_space<semaphore_mem>>) src(%dma_wait3A_27 : memref<1048576x64xf32, #tpu.memory_space<hbm>>) dst(%arg6 : memref<832x64xf32, #tpu.memory_space<vmem>>)
      %mul3A_28 = arith.constant 832 : i32
      %mul3A_29 = arith.muli %add3A_15, %mul3A_28 : i32
      %add3A_30 = arith.addi %mul3A_2, %mul3A_29 : i32
      "tpu.region"() ({
        %run_scoped3A = tpu.sem_alloc : memref<!tpu.dma_semaphore, #tpu.memory_space<semaphore_mem>>
        %dma_start3A_43 = arith.constant 0 : i32
        %dma_start3A_44 = tpu.memref_slice %arg4[%add3A_30, %dma_start3A_43] : memref<425984x64xf32, #tpu.memory_space<hbm>> -> memref<832x64xf32, #tpu.memory_space<hbm>>
        %dma_start3A_45 = arith.constant 0 : i32
        %dma_start3A_46 = tpu.memref_slice %arg4[%add3A_30, %dma_start3A_45] : memref<425984x64xf32, #tpu.memory_space<hbm>> -> memref<832x64xf32, #tpu.memory_space<hbm>>
        tpu.enqueue_dma source(%arg6 : memref<832x64xf32, #tpu.memory_space<vmem>>) target(%dma_start3A_46 : memref<832x64xf32, #tpu.memory_space<hbm>>) target_semaphore(%run_scoped3A : memref<!tpu.dma_semaphore, #tpu.memory_space<semaphore_mem>>)
        %dma_wait3A_47 = arith.constant 0 : i32
        %dma_wait3A_48 = tpu.memref_slice %arg4[%add3A_30, %dma_wait3A_47] : memref<425984x64xf32, #tpu.memory_space<hbm>> -> memref<832x64xf32, #tpu.memory_space<hbm>>
        %dma_wait3A_49 = arith.constant 0 : i32
        %dma_wait3A_50 = tpu.memref_slice %arg4[%add3A_30, %dma_wait3A_49] : memref<425984x64xf32, #tpu.memory_space<hbm>> -> memref<832x64xf32, #tpu.memory_space<hbm>>
        tpu.wait_dma2 semaphore(%run_scoped3A : memref<!tpu.dma_semaphore, #tpu.memory_space<semaphore_mem>>) src(%arg6 : memref<832x64xf32, #tpu.memory_space<vmem>>) dst(%dma_wait3A_50 : memref<832x64xf32, #tpu.memory_space<hbm>>)
        tpu.yield
      }) : () -> ()
      %lt3A = arith.constant 14 : i32
      %lt3A_31 = arith.cmpi slt, %add3A_15, %lt3A : i32
      %convert_element_type3A = arith.extui %lt3A_31 : i1 to i32
      %cond3A = arith.constant 0 : i32
      %cond3A_32 = arith.cmpi ne, %convert_element_type3A, %cond3A : i32
      scf.if %cond3A_32 {
        %add3A_43 = arith.constant 2 : i32
        %add3A_44 = arith.addi %add3A_15, %add3A_43 : i32
        %mul3A_45 = arith.constant 832 : i32
        %mul3A_46 = arith.muli %add3A_44, %mul3A_45 : i32
        %dma_start3A_47 = tpu.memref_slice %arg5[%mul3A_46] : memref<13312xi32, #tpu.memory_space<vmem>> -> memref<832xi32, #tpu.memory_space<vmem>>
        %dma_start3A_48 = arith.constant 0 : i32
        %dma_start3A_49 = arith.constant 0 : i32
        %dma_start3A_50 = tpu.memref_slice %arg2[%dma_start3A_48, %dma_start3A_49] : memref<1048576x64xf32, #tpu.memory_space<hbm>> -> memref<1048576x64xf32, #tpu.memory_space<hbm>>
        tpu.enqueue_indirect_dma source(%dma_start3A_50 : memref<1048576x64xf32, #tpu.memory_space<hbm>>) target(%arg6 : memref<832x64xf32, #tpu.memory_space<vmem>>) offsets(%dma_start3A_47 : memref<832xi32, #tpu.memory_space<vmem>>) semaphore(%arg8 : memref<!tpu.dma_semaphore, #tpu.memory_space<semaphore_mem>>)
      } else {
      }
      %dma_wait3A_33 = arith.constant 0 : i32
      %dma_wait3A_34 = tpu.memref_slice %arg5[%dma_wait3A_33] : memref<13312xi32, #tpu.memory_space<vmem>> -> memref<832xi32, #tpu.memory_space<vmem>>
      %dma_wait3A_35 = arith.constant 0 : i32
      %dma_wait3A_36 = arith.constant 0 : i32
      %dma_wait3A_37 = tpu.memref_slice %arg2[%dma_wait3A_35, %dma_wait3A_36] : memref<1048576x64xf32, #tpu.memory_space<hbm>> -> memref<1048576x64xf32, #tpu.memory_space<hbm>>
      tpu.wait_indirect_dma semaphore(%arg9 : memref<!tpu.dma_semaphore, #tpu.memory_space<semaphore_mem>>) src(%dma_wait3A_37 : memref<1048576x64xf32, #tpu.memory_space<hbm>>) dst(%arg7 : memref<832x64xf32, #tpu.memory_space<vmem>>)
      %add3A_38 = arith.constant 1 : i32
      %add3A_39 = arith.addi %add3A_15, %add3A_38 : i32
      %mul3A_40 = arith.constant 832 : i32
      %mul3A_41 = arith.muli %add3A_39, %mul3A_40 : i32
      %add3A_42 = arith.addi %mul3A_2, %mul3A_41 : i32
      "tpu.region"() ({
        %run_scoped3A = tpu.sem_alloc : memref<!tpu.dma_semaphore, #tpu.memory_space<semaphore_mem>>
        %dma_start3A_43 = arith.constant 0 : i32
        %dma_start3A_44 = tpu.memref_slice %arg4[%add3A_42, %dma_start3A_43] : memref<425984x64xf32, #tpu.memory_space<hbm>> -> memref<832x64xf32, #tpu.memory_space<hbm>>
        %dma_start3A_45 = arith.constant 0 : i32
        %dma_start3A_46 = tpu.memref_slice %arg4[%add3A_42, %dma_start3A_45] : memref<425984x64xf32, #tpu.memory_space<hbm>> -> memref<832x64xf32, #tpu.memory_space<hbm>>
        tpu.enqueue_dma source(%arg7 : memref<832x64xf32, #tpu.memory_space<vmem>>) target(%dma_start3A_46 : memref<832x64xf32, #tpu.memory_space<hbm>>) target_semaphore(%run_scoped3A : memref<!tpu.dma_semaphore, #tpu.memory_space<semaphore_mem>>)
        %dma_wait3A_47 = arith.constant 0 : i32
        %dma_wait3A_48 = tpu.memref_slice %arg4[%add3A_42, %dma_wait3A_47] : memref<425984x64xf32, #tpu.memory_space<hbm>> -> memref<832x64xf32, #tpu.memory_space<hbm>>
        %dma_wait3A_49 = arith.constant 0 : i32
        %dma_wait3A_50 = tpu.memref_slice %arg4[%add3A_42, %dma_wait3A_49] : memref<425984x64xf32, #tpu.memory_space<hbm>> -> memref<832x64xf32, #tpu.memory_space<hbm>>
        tpu.wait_dma2 semaphore(%run_scoped3A : memref<!tpu.dma_semaphore, #tpu.memory_space<semaphore_mem>>) src(%arg7 : memref<832x64xf32, #tpu.memory_space<vmem>>) dst(%dma_wait3A_50 : memref<832x64xf32, #tpu.memory_space<hbm>>)
        tpu.yield
      }) : () -> ()
    }
    %scan3A_10 = arith.constant 8 : i32
    return
  }
}

module attributes {stable_mosaic.version = 14 : i64} {
  func.func @_transpose_body(%arg0: i32, %arg1: memref<64x16384xf32, #tpu.memory_space<vmem>>, %arg2: memref<64x16384xf32, #tpu.memory_space<vmem>>, %arg3: memref<16384x128xf32, #tpu.memory_space<vmem>>) attributes {dimension_semantics = [#tpu.dimension_semantics<arbitrary>], iteration_bounds = array<i64: 32>, scalar_prefetch = 0 : i64, scratch_operands = 0 : i64, tpu.core_type = #tpu.core_type<tc>, window_params = [{transform_indices = @transform_0, window_bounds = array<i64: 64, 16384>}, {transform_indices = @transform_1, window_bounds = array<i64: 64, 16384>}, {transform_indices = @transform_2, window_bounds = array<i64: 16384, 128>}]} {
    %get3A = arith.constant 0 : index
    %get3A_0 = arith.constant 0 : index
    %get3A_1 = vector.load %arg1[%get3A, %get3A_0] : memref<64x16384xf32, #tpu.memory_space<vmem>>, vector<64x16384xf32>
    %get3A_2 = arith.constant 0 : index
    %get3A_3 = arith.constant 0 : index
    %get3A_4 = vector.load %arg2[%get3A_2, %get3A_3] : memref<64x16384xf32, #tpu.memory_space<vmem>>, vector<64x16384xf32>
    %concatenate3A = tpu.concatenate %get3A_1, %get3A_4 in 0 : vector<64x16384xf32>, vector<64x16384xf32> -> vector<128x16384xf32>
    %transpose3A = tpu.transpose %concatenate3A, [1, 0] : vector<128x16384xf32> -> vector<16384x128xf32>
    %swap3A = arith.constant 0 : index
    %swap3A_5 = arith.constant 0 : index
    %swap3A_6 = vector.load %arg3[%swap3A, %swap3A_5] : memref<16384x128xf32, #tpu.memory_space<vmem>>, vector<16384x128xf32>
    tpu.vector_store %arg3[%swap3A, %swap3A_5], %transpose3A {strides = array<i32>} : memref<16384x128xf32, #tpu.memory_space<vmem>>, vector<16384x128xf32>,
    return
  }
  func.func @transform_0(%arg0: i32) -> (i32, i32) {
    %c0_i32 = arith.constant 0 : i32
    %c0_i32_0 = arith.constant 0 : i32
    return %c0_i32, %arg0 : i32, i32
  }
  func.func @transform_1(%arg0: i32) -> (i32, i32) {
    %add3A = arith.constant 32 : i32
    %add3A_0 = arith.addi %arg0, %add3A : i32
    %min3A = arith.constant 61 : i32
    %min3A_1 = arith.minsi %add3A_0, %min3A : i32
    %c0_i32 = arith.constant 0 : i32
    %c0_i32_2 = arith.constant 0 : i32
    return %c0_i32, %min3A_1 : i32, i32
  }
  func.func @transform_2(%arg0: i32) -> (i32, i32) {
    %c0_i32 = arith.constant 0 : i32
    %c0_i32_0 = arith.constant 0 : i32
    return %arg0, %c0_i32 : i32, i32
  }
}

</mosaic_0001>

<sc_bundles>
// kernel: kernel.4.cloned.1.call-start
scs
__scs_entry_jumppad:
0x0: {  	(pc) =	sbr.rel $0x88, $3  }
0x1: {  	(tag) =	ssettag $0x0;
	lr =	simm.s32 $0x1  }
0x2: {  	[smem:$0x3F9E] =	sst lr;
	_ =	strace $0xD0000000  }
0x3: {  	_ = 	snop  }
0x4: {  	_ = 	snop  }
0x5: {  	_ = 	snop  }
0x6: {  	_ = 	snop  }
0x7: {  	_ = 	snop  }
__scs_overlays_trampoline_lowered:
0x8: {  	[smem:$0x3FAD] =	sst s0  }
0x9: {  	[smem:$0x3FAE] =	sst s1  }
0xa: {  	[smem:$0x3FAF] =	sst s2  }
0xb: {  	[smem:$0x3FB0] =	sst s3  }
0xc: {  	[smem:$0x3FB1] =	sst s4  }
0xd: {  	[smem:$0x3FB2] =	sst s5  }
0xe: {  	[smem:$0x3FB3] =	sst s6  }
0xf: {  	[smem:$0x3FB4] =	sst s7  }
0x10: {  	[smem:$0x3FB5] =	sst s8  }
0x11: {  	[smem:$0x3FB6] =	sst s9;
	s0 =	simm.s32 @!p0 $0x0  }
0x12: {  	s1 =	sld [smem:$0x3F9C];
	s0 =	simm.s32 @p0 $0x1  }
0x13: {  	[smem:$0x3FB7] =	sst s0;
	s0 =	simm.s32 @!p1 $0x0  }
0x14: {  	s2 =	sld [smem:$0x3F9B];
	s0 =	simm.s32 @p1 $0x1  }
0x15: {  	[smem:$0x3FB8] =	sst s0;
	s0 =	simm.s32 @!p2 $0x0  }
0x16: {  	s3 =	sld [smem:$0x3FDB];
	s0 =	simm.s32 @p2 $0x1  }
0x17: {  	s4 =	simm.s32 $0x1BF5;
	[smem:$0x3FBA] =	sst s0  }
0x18: {  	s0 =	sld [smem:$0x3F9D];
	_ =	swait.ge [sflag:s4], $0x0  }
0x19: {  	s7 =	sld [smem:$0x3F9E]  }
0x1a: {  	s8 =	sadd.s32 $0xFFFFE003, lr  }
0x1b: {  	s9 =	sadd.s32 $0xFFFFFEF7, lr;
	s5 =	simm.s32 $0xFFFFFFFF;
	p2 =	slt.u32 s8, $0xFFFFF086  }
0x1c: {  	p1 =	slt.u32 s9, $0xF7A;
	s5 =	simm.s32 @!p2 $0x0  }
0x1d: {  	s5 =	simm.s32 @p1 $0x1;
	p0 =	seq.s32 s7, s2  }
0x1e: {  	s7 =	smul.u32 @!p0 $0xF7A, s2;
	p2 =	seq.s32 @!p0 s5, $0x0  }
0x1f: {  	s9 =	smul.u32 $0xF7A, s1;
	s8 =	simm.s32 @!p0 $0x1BF5;
	p2 =	por !p2, p0  }
0x20: {  	[sflag:s8] =	ssyncset.s32 @!p0 $0xFFFFF086;
	s6 =	sadd.s32 @!p0 s3, s7;
	s7 =	simm.s32 @!p0 $0x108  }
0x21: {  	s3 =	sadd.s32 s3, s9;
	s6 =	sadd.s32 @!p0 $0x88, s6;
	s7 =	simm.s32 @p2 $0x1082  }
0x22: {  	[simem:s7], [sflag:s8] =	dma.local @!p0 [hbm:s6], $0xF7A  }
0x23: {  	s9 =	sor.u32 $0xD0000000, s2;
	s6 =	simm.s32 $0x108;
	_ =	swait.ge @!p0 [sflag:s8], $0x0  }
0x24: {  	s3 =	sadd.s32 $0x88, s3;
	s6 =	simm.s32 @!p1 $0x1082;
	[sflag:s4] =	ssyncset.s32 $0xFFFFF086  }
0x25: {  	[simem:s6], [sflag:s4] =	dma.local [hbm:s3], $0xF7A  }
0x26: {  	[smem:$0x3F9E] =	sst s1;
	(tag) =	ssettag s2;
	_ =	strace s9  }
0x27: {  	s1 =	sld [smem:$0x3FAE]  }
0x28: {  	s2 =	sld [smem:$0x3FAF]  }
0x29: {  	s4 =	sld [smem:$0x3FB1]  }
0x2a: {  	p0 =	seq.s32 s5, $0x0;
	s5 =	sld [smem:$0x3FB2]  }
0x2b: {  	s6 =	sld [smem:$0x3FB3]  }
0x2c: {  	s7 =	sld [smem:$0x3FB4]  }
0x2d: {  	s3 =	simm.s32 $0x108;
	s8 =	sld [smem:$0x3FB5]  }
0x2e: {  	s3 =	simm.s32 @!p0 $0x1082;
	s9 =	sld [smem:$0x3FB6]  }
0x2f: {  	lr =	sadd.s32 s0, s3;
	s0 =	sld [smem:$0x3FAD]  }
0x30: {  	s3 =	sld [smem:$0x3FB0]  }
0x31: {  	[smem:$0x3FB9] =	sst s10  }
0x32: {  	s10 =	sld [smem:$0x3FB7];
	_ =	sdelay $0x3  }
0x33: {  	p0 =	seq.s32 s10, $0x1;
	s10 =	sld [smem:$0x3FB9];
	_ =	sdelay $0x3  }
0x34: {  	[smem:$0x3FB9] =	sst s10  }
0x35: {  	s10 =	sld [smem:$0x3FB8];
	_ =	sdelay $0x3  }
0x36: {  	p1 =	seq.s32 s10, $0x1;
	s10 =	sld [smem:$0x3FB9];
	_ =	sdelay $0x3  }
0x37: {  	[smem:$0x3FB9] =	sst s10  }
0x38: {  	s10 =	sld [smem:$0x3FBA]  }
0x39: {  	_ = 	snop;
	(pc) =	sbr.ind lr, $3  }
0x3a: {  	_ = 	snop  }
0x3b: {  	_ = 	snop  }
0x3c: {  	p2 =	seq.s32 s10, $0x1;
	s10 =	sld [smem:$0x3FB9]  }
0x3d: {  	_ =	shalt  }
0x3e: {  	_ =	shalt  }
0x3f: {  	_ =	shalt  }
0x40: {  	_ =	shalt  }
0x41: {  	_ =	shalt  }
0x42: {  	_ =	shalt  }
0x43: {  	_ =	shalt  }
0x44: {  	_ =	shalt  }
0x45: {  	_ =	shalt  }
0x46: {  	_ =	shalt  }
0x47: {  	_ =	shalt  }
0x48: {  	_ =	shalt  }
0x49: {  	_ =	shalt  }
0x4a: {  	_ =	shalt  }
0x4b: {  	_ =	shalt  }
0x4c: {  	_ =	shalt  }
0x4d: {  	_ =	shalt  }
0x4e: {  	_ =	shalt  }
0x4f: {  	_ =	shalt  }
0x50: {  	_ =	shalt  }
0x51: {  	_ =	shalt  }
0x52: {  	_ =	shalt  }
0x53: {  	_ =	shalt  }
0x54: {  	_ =	shalt  }
0x55: {  	_ =	shalt  }
0x56: {  	_ =	shalt  }
0x57: {  	_ =	shalt  }
0x58: {  	_ =	shalt  }
0x59: {  	_ =	shalt  }
0x5a: {  	_ =	shalt  }
0x5b: {  	_ =	shalt  }
0x5c: {  	_ =	shalt  }
0x5d: {  	_ =	shalt  }
0x5e: {  	_ =	shalt  }
0x5f: {  	_ =	shalt  }
0x60: {  	_ =	shalt  }
0x61: {  	_ =	shalt  }
0x62: {  	_ =	shalt  }
0x63: {  	_ =	shalt  }
0x64: {  	_ =	shalt  }
0x65: {  	_ =	shalt  }
0x66: {  	_ =	shalt  }
0x67: {  	_ =	shalt  }
0x68: {  	_ =	shalt  }
0x69: {  	_ =	shalt  }
0x6a: {  	_ =	shalt  }
0x6b: {  	_ =	shalt  }
0x6c: {  	_ =	shalt  }
0x6d: {  	_ =	shalt  }
0x6e: {  	_ =	shalt  }
0x6f: {  	_ =	shalt  }
0x70: {  	_ =	shalt  }
0x71: {  	_ =	shalt  }
0x72: {  	_ =	shalt  }
0x73: {  	_ =	shalt  }
0x74: {  	_ =	shalt  }
0x75: {  	_ =	shalt  }
0x76: {  	_ =	shalt  }
0x77: {  	_ =	shalt  }
0x78: {  	_ =	shalt  }
0x79: {  	_ =	shalt  }
0x7a: {  	_ =	shalt  }
0x7b: {  	_ =	shalt  }
0x7c: {  	_ =	shalt  }
0x7d: {  	_ =	shalt  }
0x7e: {  	_ =	shalt  }
0x7f: {  	_ =	shalt  }
0x80: {  	_ =	shalt  }
0x81: {  	_ =	shalt  }
0x82: {  	_ =	shalt  }
0x83: {  	_ =	shalt  }
0x84: {  	_ =	shalt  }
0x85: {  	_ =	shalt  }
0x86: {  	_ =	shalt  }
0x87: {  	_ =	shalt  }
.Lfunc_end0:
.L_simem_size_0:
called_computation_lowered:
.L_overlay_start_0:
0x88: {  	s2 =	sld [smem:$0x3FD9]  }
0x89: {  	s3 =	sld [smem:$0x3FFE];
	_ =	sdelay $0x1  }
0x8a: {  	s1 =	srdreg.scid  }
0x8b: {  	s0 =	sand.u32 $0x1, s1  }
0x8c: {  	s17 =	sshll.u32 s0, $0xA;
	s2 =	sadd.s32 s3, s2  }
0x8d: {  	s2 =	sadd.s32 s2, s17  }
0x8e: {  	[smem:$0x3FC5] =	sst s2  }
0x8f: {  	_ = 	snop  }
0x90: {  	s2 =	sld [smem:$0x3FD0];
	(tm) =	ssettm $0x1  }
0x91: {  	s18 =	sld [smem:$0x3FFB];
	_ =	sdelay $0x3  }
0x92: {  	_ =	strace s18  }
0x93: {  	s3 =	sld [smem:$0x3FFC];
	_ =	sdelay $0x3  }
0x94: {  	_ =	strace s3  }
0x95: {  	s3 =	sld [smem:$0x3FFD];
	_ =	sdelay $0x3  }
0x96: {  	_ =	strace s3  }
0x97: {  	_ =	strace $0x8FFFFFFF  }
0x98: {  	s19 =	sld [smem:$0x3FDB];
	_ =	sdelay $0x1  }
0x99: {  	s4 =	simm.s32 $_scs_section_size  }
0x9a: {  	s5 =	simm.s32 $_size__tile_overlayer_lowered;
	s6 =	simm.s32 $_tile_overlayer_lowered  }
0x9b: {  	s22 =	simm.s32 $0x1BFF;
	s21 =	sshll.u32 s6, $0x1;
	s3 =	sadd.s32 s4, s19  }
0x9c: {  	s7 =	simm.s32 $0x0;
	s20 =	sshll.u32 s5, $0x1;
	s5 =	sadd.s32 s21, s3  }
0x9d: {  	[timem:s7], [sflag:s22] =	dma.local [hbm:s5], s20  }
0x9e: {  	_ =	swait.ge [sflag:s22], s20  }
0x9f: {  	s4 =	ssub.s32 $0x0, s20;
	[sflag:s22] =	ssyncset.done $0x0  }
0xa0: {  	[sflag:s22] =	ssyncadd.s32 s4;
	_ =	sdelay $0x1  }
0xa1: {  	s23 =	simm.s32 $0x1B8B  }
0xa2: {  	_ =	swait.ge [sflag:s23], $0x1  }
0xa3: {  	[sflag:s23] =	ssyncset.done $0x0  }
0xa4: {  	s25 =	simm.s32 $0x1B8E;
	s24 =	sld [smem:$0x3FFE];
	[sflag:s23] =	ssyncadd.s32 $0xFFFFFFFF  }
0xa5: {  	s26 =	simm.s32 $execute0_lowered;
	[smem:$0x3FD2] =	sst s25  }
0xa6: {  	s5 =	sshll.u32 s26, $0x1;
	_ =	strace $0x80000046;
	[dreg:$0x1] =	wrdreg $0xFFFFFFFF  }
0xa7: {  	s28 =	simm.s32 $_size_execute0_lowered;
	s3 =	sadd.s32 s3, s5;
	[dreg:$0x0] =	wrdreg $0x0  }
0xa8: {  	s5 =	sshll.u32 s28, $0x1;
	[dreg:$0x2] =	wrdreg s3  }
0xa9: {  	[dreg:$0x3] =	wrdreg s5  }
0xaa: {  	[dreg:$0x4] =	wrdreg $0xC0  }
0xab: {  	_ =	task [dreg:s7], $0x5FFFF  }
0xac: {  	[dreg:$0x1] =	wrdreg $0xFFFFFFFF  }
0xad: {  	[dreg:$0x0] =	wrdreg $0x60  }
0xae: {  	[dreg:$0x2] =	wrdreg s24  }
0xaf: {  	[dreg:$0x3] =	wrdreg s2  }
0xb0: {  	[dreg:$0x4] =	wrdreg $0x9  }
0xb1: {  	_ =	task.clear_ibuf [dreg:s7], $0x5FFFF;
	_ =	strace $0x90000046  }
0xb2: {  	s29 =	simm.s32 $0x9;
	_ =	strace $0x80000048  }
0xb3: {  	_ =	swait.ge [sflag:s29], $0x1  }
0xb4: {  	[sflag:s29] =	ssyncadd.s32 $0xFFFFFFFF  }
0xb5: {  	_ =	strace $0x90000048  }
0xb6: {  	_ =	sfence  }
0xb7: {  	s30 =	sld [smem:$0x0];
	_ =	sdelay $0x2  }
0xb8: {  	s31 =	sshll.u32 s1, $0xD;
	s1 =	sshrl.u32 s1, $0x2  }
0xb9: {  	s3 =	sand.u32 $0x4000, s31;
	s1 =	sadd.s32 s1, s30  }
0xba: {  	s0 =	sor.u32 s3, s0;
	s1 =	sshll.u32 s1, $0x11  }
0xbb: {  	s0 =	sor.u32 s1, s0  }
0xbc: {  	s0 =	sadd.s32 $0x8F2B, s0  }
0xbd: {  	[sflag:s0] =	ssyncadd.remote.s32 $0x1  }
0xbe: {  	_ =	sfence.sel $0xFFFF  }
0xbf: {  	[dreg:$0x0] =	wrdreg $0xFFFFFFFF;
	(pc) =	sbr.abs _section_cstart, $3  }
0xc0: {  	[dreg:$0x1] =	wrdreg $0xFFFFFFFF  }
0xc1: {  	_ =	task.clear_ibuf [dreg:s7], $0x2FFFF;
	_ =	strace $0x9FFFFFFF  }
0xc2: {  	(tm) =	ssettm $0x7FFFFFFF  }
0xc3: {  	_ =	shalt  }
tec
execute0_lowered:
.L_overlay_start_1:
0x0: {  	(tag) =	ssettag $0x1  }
0x1: {  	s4 =	rddreg [dreg:$0x0]  }
0x2: {  	s5 =	rddreg [dreg:$0x1]  }
0x3: {  	s0 =	rddreg [dreg:$0x2]  }
0x4: {  	s3 =	srdreg.scid;
	s1 =	stileid.u32;
	s2 =	simm.s32 $0x0  }
0x5: {  	s13 =	simm.s32 $0x10400;
	s14 =	simm.s32 $0x1;
	s15 =	simm.s32 $0x2  }
0x6: {  	s16 =	simm.s32 $0x30C0;
	s17 =	simm.s32 $0x0;
	s11 =	smul.u32 $0x6800, s1  }
0x7: {  	s6 =	sand.u32 $0x1, s3;
	s25 =	sshll.u32 s1, $0x1;
	s30 =	smul.u32 $0x34000, s1  }
0x8: {  	[smem:$0x7FF] =	sst s2;
	s7 =	sor.u32 s6, s25;
	s29 =	smul.u32 $0x3400, s6  }
0x9: {  	s3 =	sadd.s32 $0x400, s4;
	s9 =	ssub.s32 $0x2, s6;
	s8 =	smul.u32 $0x3400, s7  }
0xa: {  	s10 =	sadd.s32 $0x800400, s4;
	s7 =	smul.u32 $0x1A000, s7;
	s26 =	sshrl.u32 s9, $0x1  }
0xb: {  	_ =	strace $0x80000047;
	s12 =	smul.u32 $0x1A000, s6;
	s9 =	ssub.s32 s9, s26  }
0xc: {  	s28 =	sshrl.u32 s8, $0x3;
	s7 =	sadd.s32 s10, s7;
	s8 =	sadd.s32 s29, s11  }
0xd: {  	s4 =	sadd.s32 s5, s28;
	s5 =	smax.u32 s9, $0x1;
	s6 =	sadd.s32 $0x16C00, s7  }
0xe: {  	s9 =	sadd.s32 s30, s10;
	s11 =	sshll.u32 s8, $0x3;
	s7 =	sadd.s32 $0x18600, s7  }
0xf: {  	s8 =	sadd.s32 s12, s9;
	s31 =	sadd.s32 s11, s10;
	s10 =	simm.s32 $0x3  }
0x10: {  	s11 =	simm.s32 $0x340;
	s12 =	simm.s32 $0x3400;
	s9 =	sadd.s32 $0x1A00, s31  }
.LBB2_1:
0x11: {  	[tilespmem:s2], [sflag:$0x3] =	stream.linear.gather [hbm4b:s4+s2], $0x3400, $0x38;
	[tilespmem:$0x1D400] =	vst v63  }
0x12: {  	_ =	swait.ge [sflag:s10], $0x3400  }
0x13: {  	[sflag:s10] =	ssyncset.done $0x0  }
0x14: {  	[sflag:s10] =	ssyncadd.s32 $0xFFFFCC00  }
0x15: {  	[tilespmem:s12], [sflag:$0x1] =	stream.indirect.gather [hbm4b:s3+s11], $0x40, s2, s11, $0xb8;
	[tilespmem:$0x1D400] =	vst v63  }
0x16: {  	s18 =	simm.s32 $0x340  }
0x17: {  	[tilespmem:s13], [sflag:$0x2] =	stream.indirect.gather [hbm4b:s3+s11], $0x40, s18, s11, $0xb8;
	[tilespmem:$0x1D400] =	vst v63  }
0x18: {  	_ =	swait.ge [sflag:s14], $0xD000  }
0x19: {  	[sflag:s14] =	ssyncset.done $0x0  }
0x1a: {  	s29 =	sadd.s32 $0x0, s8;
	[sflag:s14] =	ssyncadd.s32 $0xFFFF3000  }
0x1b: {  	[hbm4b:s29+s2] =	stream.linear.scatter [tilespmem:s12], [sflag:$0x3], $0xD000, $0x38;
	[tilespmem:$0x1D400] =	vst v63  }
0x1c: {  	_ =	swait.ge [sflag:s10], $0xD000  }
0x1d: {  	[sflag:s10] =	ssyncset.done $0x0  }
0x1e: {  	s30 =	simm.s32 $0x680;
	[sflag:s10] =	ssyncadd.s32 $0xFFFF3000  }
0x1f: {  	[tilespmem:s12], [sflag:$0x1] =	stream.indirect.gather [hbm4b:s3+s11], $0x40, s30, s11, $0xb8;
	[tilespmem:$0x1D400] =	vst v63  }
0x20: {  	_ =	swait.ge [sflag:s15], $0xD000  }
0x21: {  	[sflag:s15] =	ssyncset.done $0x0  }
0x22: {  	s31 =	sadd.s32 $0x0, s9;
	[sflag:s15] =	ssyncadd.s32 $0xFFFF3000  }
0x23: {  	[hbm4b:s31+s2] =	stream.linear.scatter [tilespmem:s13], [sflag:$0x3], $0xD000, $0x38;
	[tilespmem:$0x1D400] =	vst v63  }
0x24: {  	s20 =	simm.s32 $0x6800;
	_ =	swait.ge [sflag:s10], $0xD000  }
0x25: {  	s19 =	simm.s32 $0xD00;
	s18 =	simm.s32 $0x3400;
	[sflag:s10] =	ssyncset.done $0x0  }
.LBB2_2:
0x26: {  	p0 =	sne.s32 s20, $0x13800;
	s21 =	sadd.s32 $0xFFFFFCC0, s19;
	[sflag:s10] =	ssyncadd.s32 $0xFFFF3000  }
0x27: {  	[tilespmem:s13], [sflag:$0x2] =	stream.indirect.gather [hbm4b:s3+s11], $0x40, s21, s11, $0xb8;
	[tilespmem:$0x1D400] =	vst v63  }
0x28: {  	s21 =	smov.u32 s20;
	s20 =	sadd.s32 $0x3400, s20;
	_ =	swait.ge [sflag:s14], $0xD000  }
0x29: {  	[sflag:s14] =	ssyncset.done $0x0  }
0x2a: {  	s22 =	sadd.s32 s18, s8;
	[sflag:s14] =	ssyncadd.s32 $0xFFFF3000  }
0x2b: {  	[hbm4b:s22+s2] =	stream.linear.scatter [tilespmem:s12], [sflag:$0x3], $0xD000, $0x38;
	[tilespmem:$0x1D400] =	vst v63  }
0x2c: {  	_ =	swait.ge [sflag:s10], $0xD000  }
0x2d: {  	[sflag:s10] =	ssyncset.done $0x0  }
0x2e: {  	[sflag:s10] =	ssyncadd.s32 $0xFFFF3000  }
0x2f: {  	[tilespmem:s12], [sflag:$0x1] =	stream.indirect.gather [hbm4b:s3+s11], $0x40, s19, s11, $0xb8;
	[tilespmem:$0x1D400] =	vst v63  }
0x30: {  	_ =	swait.ge [sflag:s15], $0xD000  }
.Ltmp0:
0x31: {  	[sflag:s15] =	ssyncset.done $0x0;
	(pc) =	sbr.rel @p0 .LBB2_2-.Ltmp0, $4  }
0x32: {  	s22 =	sadd.s32 s18, s9;
	s18 =	smov.u32 s21;
	[sflag:s15] =	ssyncadd.s32 $0xFFFF3000  }
0x33: {  	[hbm4b:s22+s2] =	stream.linear.scatter [tilespmem:s13], [sflag:$0x3], $0xD000, $0x38;
	[tilespmem:$0x1D400] =	vst v63  }
0x34: {  	_ =	swait.ge [sflag:s10], $0xD000  }
0x35: {  	s19 =	sadd.s32 $0x680, s19;
	[sflag:s10] =	ssyncset.done $0x0  }
0x36: {  	s20 =	sadd.s32 $0xFFFFFCC0, s19;
	[sflag:s10] =	ssyncadd.s32 $0xFFFF3000  }
0x37: {  	[tilespmem:s13], [sflag:$0x2] =	stream.indirect.gather [hbm4b:s3+s11], $0x40, s20, s11, $0xb8;
	[tilespmem:$0x1D400] =	vst v63  }
0x38: {  	_ =	swait.ge [sflag:s14], $0xD000  }
0x39: {  	[sflag:s14] =	ssyncset.done $0x0  }
0x3a: {  	s30 =	sadd.s32 s18, s8;
	[sflag:s14] =	ssyncadd.s32 $0xFFFF3000  }
0x3b: {  	[hbm4b:s30+s2] =	stream.linear.scatter [tilespmem:s12], [sflag:$0x3], $0xD000, $0x38;
	[tilespmem:$0x1D400] =	vst v63  }
0x3c: {  	_ =	swait.ge [sflag:s10], $0xD000  }
0x3d: {  	[sflag:s10] =	ssyncset.done $0x0  }
0x3e: {  	[sflag:s10] =	ssyncadd.s32 $0xFFFF3000  }
0x3f: {  	[tilespmem:s12], [sflag:$0x1] =	stream.indirect.gather [hbm4b:s3+s11], $0x40, s19, s11, $0xb8;
	[tilespmem:$0x1D400] =	vst v63  }
0x40: {  	_ =	swait.ge [sflag:s15], $0xD000  }
0x41: {  	[sflag:s15] =	ssyncset.done $0x0  }
0x42: {  	s31 =	sadd.s32 s18, s9;
	[sflag:s15] =	ssyncadd.s32 $0xFFFF3000  }
0x43: {  	[hbm4b:s31+s2] =	stream.linear.scatter [tilespmem:s13], [sflag:$0x3], $0xD000, $0x38;
	[tilespmem:$0x1D400] =	vst v63  }
0x44: {  	_ =	swait.ge [sflag:s10], $0xD000  }
0x45: {  	[sflag:s10] =	ssyncset.done $0x0  }
0x46: {  	[sflag:s10] =	ssyncadd.s32 $0xFFFF3000  }
0x47: {  	[tilespmem:s13], [sflag:$0x2] =	stream.indirect.gather [hbm4b:s3+s11], $0x40, s16, s11, $0xb8;
	[tilespmem:$0x1D400] =	vst v63  }
0x48: {  	_ =	swait.ge [sflag:s14], $0xD000  }
0x49: {  	[sflag:s14] =	ssyncset.done $0x0  }
0x4a: {  	[sflag:s14] =	ssyncadd.s32 $0xFFFF3000  }
0x4b: {  	[hbm4b:s6+s2] =	stream.linear.scatter [tilespmem:s12], [sflag:$0x3], $0xD000, $0x38;
	[tilespmem:$0x1D400] =	vst v63  }
0x4c: {  	_ =	swait.ge [sflag:s10], $0xD000  }
0x4d: {  	[sflag:s10] =	ssyncset.done $0x0  }
0x4e: {  	[sflag:s10] =	ssyncadd.s32 $0xFFFF3000  }
0x4f: {  	s17 =	sadd.s32 $0x1, s17;
	_ =	swait.ge [sflag:s15], $0xD000  }
0x50: {  	p0 =	sne.s32 s17, s5;
	[sflag:s15] =	ssyncset.done $0x0  }
.Ltmp1:
0x51: {  	[sflag:s15] =	ssyncadd.s32 $0xFFFF3000;
	(pc) =	sbr.rel @p0 .LBB2_1-.Ltmp1, $4  }
0x52: {  	[hbm4b:s7+s2] =	stream.linear.scatter [tilespmem:s13], [sflag:$0x3], $0xD000, $0x38;
	[tilespmem:$0x1D400] =	vst v63  }
0x53: {  	_ =	swait.ge [sflag:s10], $0xD000  }
0x54: {  	[sflag:s10] =	ssyncset.done $0x0  }
0x55: {  	[sflag:s10] =	ssyncadd.s32 $0xFFFF3000  }
0x56: {  	_ =	sfence.sel $0x180000  }
0x57: {  	[bflag:$0x0] =	sbarrier.arrive $0xFFFF  }
0x58: {  	p0 =	sne.s32 s1, $0x0;
	_ =	strace $0x90000047  }
0x59: {  	s0 =	sadd.s32 @!p0 $0x100000, s0;
	[bflag:$0x2] =	sbarrier.arrive $0xFFFF  }
0x5a: {  	[sflag:s0] =	ssyncadd.tile.s32 @!p0 $0x1;
	_ =	shalt  }
.Lfunc_end2:
_tile_overlayer_lowered:
.L_overlay_start_2:
0x5b: {  	(tag) =	ssettag $0x2  }
0x5c: {  	s0 =	rddreg [dreg:$0x0];
	s2 =	stileid.u32  }
0x5d: {  	s1 =	rddreg [dreg:$0x1];
	p0 =	sne.s32 s2, $0x0  }
0x5e: {  	s3 =	rddreg [dreg:$0x2];
	[bflag:$0x3] =	sbarrier.arrive $0xFFFF;
	s2 =	simm.s32 @!p0 $0x1C03  }
0x5f: {  	[timem:s3], [sflag:s2] =	dma.local @!p0 [hbm:s0], s1  }
0x60: {  	s0 =	simm.s32 @!p0 $0x3  }
0x61: {  	_ =	swait.ge @!p0 [sflag:s0], s1  }
0x62: {  	s1 =	ssub.s32 @!p0 $0x0, s1;
	[sflag:s0] =	ssyncset.done @!p0 $0x0  }
0x63: {  	[sflag:s0] =	ssyncadd.s32 @!p0 s1  }
0x64: {  	[bflag:$0x3] =	sbarrier.arrive $0xFFFF  }
0x65: {  	_ =	shalt  }

</sc_bundles>
